<compile_context>
chip_gen: v7x
topology: tpu7x:2x2x1
jax: 0.10.2.dev20260603
libtpu: 0.0.44.dev20260713+nightly
codegen_flags: <defaults>
</compile_context>

<pallas_src>
import math
import functools

import jax
import jax.numpy as jnp
from jax import lax
from jax.experimental import pallas as pl
from jax.experimental.pallas import tpu as pltpu
from jax.experimental.pallas import tpu_sc as plsc

_NC = 32000
_MASS = 0.1
_P = 1.0 - _MASS
_FILL = _MASS / (_NC - 2)
_A = (_NC - 1) * _FILL * math.log(_FILL) + _P * math.log(_P)
_T = (_NC - 1) * _FILL + _P
_PF = _P - _FILL

_ROWS = 16
_NWORKERS = 32


def _loss_kernel(x_ref, y_ref, out_ref, *, inv_n):
    i = pl.program_id(0)
    xb = x_ref[...]
    yv = y_ref[...].reshape(_ROWS)

    m = jnp.max(xb, axis=-1)
    s = jnp.sum(jnp.exp(xb - m[:, None]), axis=-1)
    lse = m + jnp.log(s)
    sx = jnp.sum(xb, axis=-1)

    w = (yv != 0).astype(jnp.float32)
    loss = w * (_A - _FILL * sx + _T * lse)
    acc = jnp.sum(loss) * inv_n

    @pl.when(i == 0)
    def _():
        out_ref[...] = jnp.zeros_like(out_ref)

    out_ref[...] += jnp.reshape(acc, (1, 1))


def _make_sc_gather(n):
    rows_per_w = n // _NWORKERS
    mesh = plsc.VectorSubcoreMesh(core_axis_name="c", subcore_axis_name="s")

    @functools.partial(
        pl.kernel,
        mesh=mesh,
        out_type=jax.ShapeDtypeStruct((_NWORKERS, 16), jnp.float32),
        scratch_types=[
            pltpu.VMEM((rows_per_w,), jnp.int32),
            pltpu.VMEM((rows_per_w,), jnp.int32),
            pltpu.VMEM((rows_per_w,), jnp.float32),
            pltpu.VMEM((16,), jnp.float32),
            pltpu.SemaphoreType.DMA,
        ],
    )
    def _gather(y_hbm, xflat_hbm, out_hbm, y_s, addr_s, val_s, part_s, sem):
        wid = lax.axis_index("s") * 2 + lax.axis_index("c")
        base = wid * rows_per_w
        pltpu.sync_copy(y_hbm.at[pl.ds(base, rows_per_w)], y_s)
        for j in range(rows_per_w // 16):
            yv = y_s[pl.ds(j * 16, 16)]
            rows = base + j * 16 + lax.iota(jnp.int32, 16)
            addr_s[pl.ds(j * 16, 16)] = rows * _NC + yv
        pltpu.async_copy(xflat_hbm.at[addr_s], val_s, sem).wait()
        acc = jnp.zeros((16,), jnp.float32)
        for j in range(rows_per_w // 16):
            yv = y_s[pl.ds(j * 16, 16)]
            xv = val_s[pl.ds(j * 16, 16)]
            acc = acc + jnp.where(yv == 0, 0.0, xv)
        part_s[...] = acc
        pltpu.sync_copy(part_s, out_hbm.at[wid])

    return _gather


@jax.jit
def kernel(x, y):
    n = x.shape[0] * x.shape[1]
    nb = n // _ROWS
    x2 = x.reshape(n, _NC)
    yf = y.reshape(n)
    xy_parts = _make_sc_gather(n)(yf, x.reshape(-1))
    return jnp.sum(xy_parts)
    dense = pl.pallas_call(
        functools.partial(_loss_kernel, inv_n=1.0 / n),
        grid=(nb,),
        in_specs=[
            pl.BlockSpec((_ROWS, _NC), lambda i: (i, 0)),
            pl.BlockSpec((1, 1, _ROWS), lambda i: (i, 0, 0)),
        ],
        out_specs=pl.BlockSpec((1, 1), lambda i: (0, 0)),
        out_shape=jax.ShapeDtypeStruct((1, 1), jnp.float32),
    )(x2, yf.reshape(nb, 1, _ROWS))
    return dense[0, 0] - (_PF / n) * jnp.sum(xy_parts)

# --- scband reference (transcript-rebuilt; emitter-appended) ---
"""Pipeline reference for scband-fuzzy-loss-4028679323670 (READ-ONLY COPY).

The authoritative reference and input builder live on the scoring server;
editing this copy changes nothing except your own understanding.
"""

import jax, jax.numpy as jnp
import numpy as np

NUM_CLASSES = 32000
MASS = 0.1
IGNORE = [0]


def setup_inputs(seed: int = 0) -> dict:
    key = jax.random.key(seed)
    k1, k2 = jax.random.split(key)
    x = jax.random.normal(k1, (1, 2048, NUM_CLASSES), dtype=jnp.float32)
    y = jax.random.randint(k2, (1, 2048), 0, NUM_CLASSES, dtype=jnp.int32)
    return {"x": x, "y": y}


def reference(x, y):
    N = x.shape[0] * x.shape[1]
    yf = y.reshape(-1)
    fill = MASS / (NUM_CLASSES - (1 + len(IGNORE)))
    # soft label tensor: uniform redistributed mass, scatter (1-mass) at true class
    y_float = jnp.full((N, NUM_CLASSES), fill, dtype=jnp.float32)
    y_float = y_float.at[jnp.arange(N), yf].set(1.0 - MASS)
    # zero out rows whose target is an ignore index
    mask = jnp.zeros((N,), dtype=bool)
    for idx in IGNORE:
        mask = mask | (yf == idx)
    y_float = jnp.where(mask[:, None], 0.0, y_float)
    logp = jax.nn.log_softmax(x.reshape(-1, NUM_CLASSES), axis=-1)
    # KLDivLoss(reduction='batchmean'): sum(target*(log(target)-input)) / N, with 0*log(0)=0
    kl = jnp.where(y_float > 0, y_float * (jnp.log(jnp.clip(y_float, 1e-30, None)) - logp), 0.0)
    return jnp.sum(kl) / N

if __name__ == "__main__":
    import jax
    _d = setup_inputs()
    print(jax.jit(kernel)(*tuple(_d.values())))

</pallas_src>

<mosaic_0001>
#map = affine_map<(d0, d1) -> (0)>
#map1 = affine_map<(d0, d1) -> (0, 0)>
module attributes {stable_mosaic.version = 14 : i64} {
  func.func @_gather(%arg0: i32, %arg1: i32, %arg2: memref<2048xi32, #tpu.memory_space<hbm>>, %arg3: memref<65536000xf32, #tpu.memory_space<hbm>>, %arg4: memref<32x16xf32, #tpu.memory_space<hbm>>, %arg5: memref<64xi32, #tpu.memory_space<vmem>>, %arg6: memref<64xi32, #tpu.memory_space<vmem>>, %arg7: memref<64xf32, #tpu.memory_space<vmem>>, %arg8: memref<16xf32, #tpu.memory_space<vmem>>, %arg9: memref<!tpu.dma_semaphore, #tpu.memory_space<semaphore_mem>>) attributes {dimension_semantics = [#tpu.dimension_semantics<core_parallel>, #tpu.dimension_semantics<subcore_parallel>], iteration_bounds = array<i64: 2, 16>, scalar_prefetch = 0 : i64, scratch_operands = 5 : i64, tpu.core_type = #tpu.core_type<sc_vector_subcore>, window_params = [{transform_indices = #map}, {transform_indices = #map}, {transform_indices = #map1}]} {
    %mul3A = arith.constant 2 : i32
    %mul3A_0 = arith.muli %arg1, %mul3A : i32
    %add3A = arith.addi %mul3A_0, %arg0 : i32
    %mul3A_1 = arith.constant 64 : i32
    %mul3A_2 = arith.muli %add3A, %mul3A_1 : i32
    "tpu.region"() ({
      %run_scoped3A = tpu.sem_alloc : memref<!tpu.dma_semaphore, #tpu.memory_space<semaphore_mem>>
      %dma_start3A_120 = tpu.memref_slice %arg2[%mul3A_2] : memref<2048xi32, #tpu.memory_space<hbm>> -> memref<64xi32, #tpu.memory_space<hbm>>
      %dma_start3A_121 = tpu.memref_slice %arg2[%mul3A_2] : memref<2048xi32, #tpu.memory_space<hbm>> -> memref<64xi32, #tpu.memory_space<hbm>>
      tpu.enqueue_dma source(%dma_start3A_121 : memref<64xi32, #tpu.memory_space<hbm>>) target(%arg5 : memref<64xi32, #tpu.memory_space<vmem>>) target_semaphore(%run_scoped3A : memref<!tpu.dma_semaphore, #tpu.memory_space<semaphore_mem>>)
      %dma_wait3A_122 = tpu.memref_slice %arg2[%mul3A_2] : memref<2048xi32, #tpu.memory_space<hbm>> -> memref<64xi32, #tpu.memory_space<hbm>>
      %dma_wait3A_123 = tpu.memref_slice %arg2[%mul3A_2] : memref<2048xi32, #tpu.memory_space<hbm>> -> memref<64xi32, #tpu.memory_space<hbm>>
      tpu.wait_dma2 semaphore(%run_scoped3A : memref<!tpu.dma_semaphore, #tpu.memory_space<semaphore_mem>>) src(%dma_wait3A_123 : memref<64xi32, #tpu.memory_space<hbm>>) dst(%arg5 : memref<64xi32, #tpu.memory_space<vmem>>)
      tpu.yield
    }) : () -> ()
    %get3A = arith.constant 0 : index
    %get3A_3 = tpu.vector_load %arg5[%get3A] {strides = array<i32>} : memref<64xi32, #tpu.memory_space<vmem>>, vector<16xi32>,
    %get3A_4 = vector.shape_cast %get3A_3 : vector<16xi32> to vector<16xi32>
    %add3A_5 = arith.constant 0 : i32
    %add3A_6 = arith.addi %mul3A_2, %add3A_5 : i32
    %iota3A = tpu.iota {dimensions = array<i32: 0>} : vector<16xi32>
    %add3A_7 = vector.broadcast %add3A_6 : i32 to vector<16xi32>
    %add3A_8 = arith.addi %add3A_7, %iota3A : vector<16xi32>
    %mul3A_9 = arith.constant 32000 : i32
    %mul3A_10 = vector.broadcast %mul3A_9 : i32 to vector<16xi32>
    %mul3A_11 = arith.muli %add3A_8, %mul3A_10 : vector<16xi32>
    %add3A_12 = arith.addi %mul3A_11, %get3A_4 : vector<16xi32>
    %swap3A = arith.constant 0 : index
    %swap3A_13 = tpu.vector_load %arg6[%swap3A] {strides = array<i32>} : memref<64xi32, #tpu.memory_space<vmem>>, vector<16xi32>,
    %swap3A_14 = vector.shape_cast %swap3A_13 : vector<16xi32> to vector<16xi32>
    %swap3A_15 = vector.shape_cast %add3A_12 : vector<16xi32> to vector<16xi32>
    tpu.vector_store %arg6[%swap3A], %swap3A_15 {strides = array<i32>} : memref<64xi32, #tpu.memory_space<vmem>>, vector<16xi32>,
    %get3A_16 = arith.constant 16 : index
    %get3A_17 = tpu.vector_load %arg5[%get3A_16] {strides = array<i32>} : memref<64xi32, #tpu.memory_space<vmem>>, vector<16xi32>,
    %get3A_18 = vector.shape_cast %get3A_17 : vector<16xi32> to vector<16xi32>
    %add3A_19 = arith.constant 16 : i32
    %add3A_20 = arith.addi %mul3A_2, %add3A_19 : i32
    %iota3A_21 = tpu.iota {dimensions = array<i32: 0>} : vector<16xi32>
    %add3A_22 = vector.broadcast %add3A_20 : i32 to vector<16xi32>
    %add3A_23 = arith.addi %add3A_22, %iota3A_21 : vector<16xi32>
    %mul3A_24 = arith.constant 32000 : i32
    %mul3A_25 = vector.broadcast %mul3A_24 : i32 to vector<16xi32>
    %mul3A_26 = arith.muli %add3A_23, %mul3A_25 : vector<16xi32>
    %add3A_27 = arith.addi %mul3A_26, %get3A_18 : vector<16xi32>
    %swap3A_28 = arith.constant 16 : index
    %swap3A_29 = tpu.vector_load %arg6[%swap3A_28] {strides = array<i32>} : memref<64xi32, #tpu.memory_space<vmem>>, vector<16xi32>,
    %swap3A_30 = vector.shape_cast %swap3A_29 : vector<16xi32> to vector<16xi32>
    %swap3A_31 = vector.shape_cast %add3A_27 : vector<16xi32> to vector<16xi32>
    tpu.vector_store %arg6[%swap3A_28], %swap3A_31 {strides = array<i32>} : memref<64xi32, #tpu.memory_space<vmem>>, vector<16xi32>,
    %get3A_32 = arith.constant 32 : index
    %get3A_33 = tpu.vector_load %arg5[%get3A_32] {strides = array<i32>} : memref<64xi32, #tpu.memory_space<vmem>>, vector<16xi32>,
    %get3A_34 = vector.shape_cast %get3A_33 : vector<16xi32> to vector<16xi32>
    %add3A_35 = arith.constant 32 : i32
    %add3A_36 = arith.addi %mul3A_2, %add3A_35 : i32
    %iota3A_37 = tpu.iota {dimensions = array<i32: 0>} : vector<16xi32>
    %add3A_38 = vector.broadcast %add3A_36 : i32 to vector<16xi32>
    %add3A_39 = arith.addi %add3A_38, %iota3A_37 : vector<16xi32>
    %mul3A_40 = arith.constant 32000 : i32
    %mul3A_41 = vector.broadcast %mul3A_40 : i32 to vector<16xi32>
    %mul3A_42 = arith.muli %add3A_39, %mul3A_41 : vector<16xi32>
    %add3A_43 = arith.addi %mul3A_42, %get3A_34 : vector<16xi32>
    %swap3A_44 = arith.constant 32 : index
    %swap3A_45 = tpu.vector_load %arg6[%swap3A_44] {strides = array<i32>} : memref<64xi32, #tpu.memory_space<vmem>>, vector<16xi32>,
    %swap3A_46 = vector.shape_cast %swap3A_45 : vector<16xi32> to vector<16xi32>
    %swap3A_47 = vector.shape_cast %add3A_43 : vector<16xi32> to vector<16xi32>
    tpu.vector_store %arg6[%swap3A_44], %swap3A_47 {strides = array<i32>} : memref<64xi32, #tpu.memory_space<vmem>>, vector<16xi32>,
    %get3A_48 = arith.constant 48 : index
    %get3A_49 = tpu.vector_load %arg5[%get3A_48] {strides = array<i32>} : memref<64xi32, #tpu.memory_space<vmem>>, vector<16xi32>,
    %get3A_50 = vector.shape_cast %get3A_49 : vector<16xi32> to vector<16xi32>
    %add3A_51 = arith.constant 48 : i32
    %add3A_52 = arith.addi %mul3A_2, %add3A_51 : i32
    %iota3A_53 = tpu.iota {dimensions = array<i32: 0>} : vector<16xi32>
    %add3A_54 = vector.broadcast %add3A_52 : i32 to vector<16xi32>
    %add3A_55 = arith.addi %add3A_54, %iota3A_53 : vector<16xi32>
    %mul3A_56 = arith.constant 32000 : i32
    %mul3A_57 = vector.broadcast %mul3A_56 : i32 to vector<16xi32>
    %mul3A_58 = arith.muli %add3A_55, %mul3A_57 : vector<16xi32>
    %add3A_59 = arith.addi %mul3A_58, %get3A_50 : vector<16xi32>
    %swap3A_60 = arith.constant 48 : index
    %swap3A_61 = tpu.vector_load %arg6[%swap3A_60] {strides = array<i32>} : memref<64xi32, #tpu.memory_space<vmem>>, vector<16xi32>,
    %swap3A_62 = vector.shape_cast %swap3A_61 : vector<16xi32> to vector<16xi32>
    %swap3A_63 = vector.shape_cast %add3A_59 : vector<16xi32> to vector<16xi32>
    tpu.vector_store %arg6[%swap3A_60], %swap3A_63 {strides = array<i32>} : memref<64xi32, #tpu.memory_space<vmem>>, vector<16xi32>,
    %dma_start3A = arith.constant 0 : i32
    %dma_start3A_64 = tpu.memref_slice %arg3[%dma_start3A] : memref<65536000xf32, #tpu.memory_space<hbm>> -> memref<65536000xf32, #tpu.memory_space<hbm>>
    tpu.enqueue_indirect_dma source(%dma_start3A_64 : memref<65536000xf32, #tpu.memory_space<hbm>>) target(%arg7 : memref<64xf32, #tpu.memory_space<vmem>>) offsets(%arg6 : memref<64xi32, #tpu.memory_space<vmem>>) semaphore(%arg9 : memref<!tpu.dma_semaphore, #tpu.memory_space<semaphore_mem>>)
    %dma_wait3A = arith.constant 0 : i32
    %dma_wait3A_65 = tpu.memref_slice %arg3[%dma_wait3A] : memref<65536000xf32, #tpu.memory_space<hbm>> -> memref<65536000xf32, #tpu.memory_space<hbm>>
    tpu.wait_indirect_dma semaphore(%arg9 : memref<!tpu.dma_semaphore, #tpu.memory_space<semaphore_mem>>) src(%dma_wait3A_65 : memref<65536000xf32, #tpu.memory_space<hbm>>) dst(%arg7 : memref<64xf32, #tpu.memory_space<vmem>>)
    %broadcast_in_dim3A = arith.constant 0.000000e+00 : f32
    %broadcast_in_dim3A_66 = vector.broadcast %broadcast_in_dim3A : f32 to vector<16xf32>
    %get3A_67 = arith.constant 0 : index
    %get3A_68 = tpu.vector_load %arg5[%get3A_67] {strides = array<i32>} : memref<64xi32, #tpu.memory_space<vmem>>, vector<16xi32>,
    %get3A_69 = vector.shape_cast %get3A_68 : vector<16xi32> to vector<16xi32>
    %get3A_70 = arith.constant 0 : index
    %get3A_71 = tpu.vector_load %arg7[%get3A_70] {strides = array<i32>} : memref<64xf32, #tpu.memory_space<vmem>>, vector<16xf32>,
    %get3A_72 = vector.shape_cast %get3A_71 : vector<16xf32> to vector<16xf32>
    %eq3A = arith.constant 0 : i32
    %eq3A_73 = vector.broadcast %eq3A : i32 to vector<16xi32>
    %eq3A_74 = arith.cmpi eq, %get3A_69, %eq3A_73 : vector<16xi32>
    %jit3A = arith.constant 0.000000e+00 : f32
    %broadcast_in_dim3A_75 = vector.broadcast %jit3A : f32 to vector<16xf32>
    %select_n3A = arith.select %eq3A_74, %broadcast_in_dim3A_75, %get3A_72 : vector<16xi1>, vector<16xf32>
    %add3A_76 = arith.addf %broadcast_in_dim3A_66, %select_n3A : vector<16xf32>
    %get3A_77 = arith.constant 16 : index
    %get3A_78 = tpu.vector_load %arg5[%get3A_77] {strides = array<i32>} : memref<64xi32, #tpu.memory_space<vmem>>, vector<16xi32>,
    %get3A_79 = vector.shape_cast %get3A_78 : vector<16xi32> to vector<16xi32>
    %get3A_80 = arith.constant 16 : index
    %get3A_81 = tpu.vector_load %arg7[%get3A_80] {strides = array<i32>} : memref<64xf32, #tpu.memory_space<vmem>>, vector<16xf32>,
    %get3A_82 = vector.shape_cast %get3A_81 : vector<16xf32> to vector<16xf32>
    %eq3A_83 = arith.constant 0 : i32
    %eq3A_84 = vector.broadcast %eq3A_83 : i32 to vector<16xi32>
    %eq3A_85 = arith.cmpi eq, %get3A_79, %eq3A_84 : vector<16xi32>
    %jit3A_86 = arith.constant 0.000000e+00 : f32
    %broadcast_in_dim3A_87 = vector.broadcast %jit3A_86 : f32 to vector<16xf32>
    %select_n3A_88 = arith.select %eq3A_85, %broadcast_in_dim3A_87, %get3A_82 : vector<16xi1>, vector<16xf32>
    %add3A_89 = arith.addf %add3A_76, %select_n3A_88 : vector<16xf32>
    %get3A_90 = arith.constant 32 : index
    %get3A_91 = tpu.vector_load %arg5[%get3A_90] {strides = array<i32>} : memref<64xi32, #tpu.memory_space<vmem>>, vector<16xi32>,
    %get3A_92 = vector.shape_cast %get3A_91 : vector<16xi32> to vector<16xi32>
    %get3A_93 = arith.constant 32 : index
    %get3A_94 = tpu.vector_load %arg7[%get3A_93] {strides = array<i32>} : memref<64xf32, #tpu.memory_space<vmem>>, vector<16xf32>,
    %get3A_95 = vector.shape_cast %get3A_94 : vector<16xf32> to vector<16xf32>
    %eq3A_96 = arith.constant 0 : i32
    %eq3A_97 = vector.broadcast %eq3A_96 : i32 to vector<16xi32>
    %eq3A_98 = arith.cmpi eq, %get3A_92, %eq3A_97 : vector<16xi32>
    %jit3A_99 = arith.constant 0.000000e+00 : f32
    %broadcast_in_dim3A_100 = vector.broadcast %jit3A_99 : f32 to vector<16xf32>
    %select_n3A_101 = arith.select %eq3A_98, %broadcast_in_dim3A_100, %get3A_95 : vector<16xi1>, vector<16xf32>
    %add3A_102 = arith.addf %add3A_89, %select_n3A_101 : vector<16xf32>
    %get3A_103 = arith.constant 48 : index
    %get3A_104 = tpu.vector_load %arg5[%get3A_103] {strides = array<i32>} : memref<64xi32, #tpu.memory_space<vmem>>, vector<16xi32>,
    %get3A_105 = vector.shape_cast %get3A_104 : vector<16xi32> to vector<16xi32>
    %get3A_106 = arith.constant 48 : index
    %get3A_107 = tpu.vector_load %arg7[%get3A_106] {strides = array<i32>} : memref<64xf32, #tpu.memory_space<vmem>>, vector<16xf32>,
    %get3A_108 = vector.shape_cast %get3A_107 : vector<16xf32> to vector<16xf32>
    %eq3A_109 = arith.constant 0 : i32
    %eq3A_110 = vector.broadcast %eq3A_109 : i32 to vector<16xi32>
    %eq3A_111 = arith.cmpi eq, %get3A_105, %eq3A_110 : vector<16xi32>
    %jit3A_112 = arith.constant 0.000000e+00 : f32
    %broadcast_in_dim3A_113 = vector.broadcast %jit3A_112 : f32 to vector<16xf32>
    %select_n3A_114 = arith.select %eq3A_111, %broadcast_in_dim3A_113, %get3A_108 : vector<16xi1>, vector<16xf32>
    %add3A_115 = arith.addf %add3A_102, %select_n3A_114 : vector<16xf32>
    %swap3A_116 = arith.constant 0 : index
    %swap3A_117 = tpu.vector_load %arg8[%swap3A_116] {strides = array<i32>} : memref<16xf32, #tpu.memory_space<vmem>>, vector<16xf32>,
    %swap3A_118 = vector.shape_cast %swap3A_117 : vector<16xf32> to vector<16xf32>
    %swap3A_119 = vector.shape_cast %add3A_115 : vector<16xf32> to vector<16xf32>
    tpu.vector_store %arg8[%swap3A_116], %swap3A_119 {strides = array<i32>} : memref<16xf32, #tpu.memory_space<vmem>>, vector<16xf32>,
    "tpu.region"() ({
      %run_scoped3A = tpu.sem_alloc : memref<!tpu.dma_semaphore, #tpu.memory_space<semaphore_mem>>
      %dma_start3A_120 = arith.constant 0 : i32
      %dma_start3A_121 = tpu.memref_slice %arg4[%add3A, %dma_start3A_120] : memref<32x16xf32, #tpu.memory_space<hbm>> -> memref<1x16xf32, #tpu.memory_space<hbm>>
      %dma_start3A_122 = tpu.memref_squeeze %dma_start3A_121 : memref<1x16xf32, #tpu.memory_space<hbm>> -> memref<16xf32, #tpu.memory_space<hbm>>
      %dma_start3A_123 = arith.constant 0 : i32
      %dma_start3A_124 = tpu.memref_slice %arg4[%add3A, %dma_start3A_123] : memref<32x16xf32, #tpu.memory_space<hbm>> -> memref<1x16xf32, #tpu.memory_space<hbm>>
      %dma_start3A_125 = tpu.memref_squeeze %dma_start3A_124 : memref<1x16xf32, #tpu.memory_space<hbm>> -> memref<16xf32, #tpu.memory_space<hbm>>
      tpu.enqueue_dma source(%arg8 : memref<16xf32, #tpu.memory_space<vmem>>) target(%dma_start3A_125 : memref<16xf32, #tpu.memory_space<hbm>>) target_semaphore(%run_scoped3A : memref<!tpu.dma_semaphore, #tpu.memory_space<semaphore_mem>>)
      %dma_wait3A_126 = arith.constant 0 : i32
      %dma_wait3A_127 = tpu.memref_slice %arg4[%add3A, %dma_wait3A_126] : memref<32x16xf32, #tpu.memory_space<hbm>> -> memref<1x16xf32, #tpu.memory_space<hbm>>
      %dma_wait3A_128 = tpu.memref_squeeze %dma_wait3A_127 : memref<1x16xf32, #tpu.memory_space<hbm>> -> memref<16xf32, #tpu.memory_space<hbm>>
      %dma_wait3A_129 = arith.constant 0 : i32
      %dma_wait3A_130 = tpu.memref_slice %arg4[%add3A, %dma_wait3A_129] : memref<32x16xf32, #tpu.memory_space<hbm>> -> memref<1x16xf32, #tpu.memory_space<hbm>>
      %dma_wait3A_131 = tpu.memref_squeeze %dma_wait3A_130 : memref<1x16xf32, #tpu.memory_space<hbm>> -> memref<16xf32, #tpu.memory_space<hbm>>
      tpu.wait_dma2 semaphore(%run_scoped3A : memref<!tpu.dma_semaphore, #tpu.memory_space<semaphore_mem>>) src(%arg8 : memref<16xf32, #tpu.memory_space<vmem>>) dst(%dma_wait3A_131 : memref<16xf32, #tpu.memory_space<hbm>>)
      tpu.yield
    }) : () -> ()
    return
  }
}

</mosaic_0001>

<sc_bundles>
// kernel: kernel.3.cloned.1.call-start
scs
__scs_entry_jumppad:
0x0: {  	(pc) =	sbr.rel $0x88, $3  }
0x1: {  	(tag) =	ssettag $0x0;
	lr =	simm.s32 $0x1  }
0x2: {  	[smem:$0x3F9F] =	sst lr;
	_ =	strace $0xD0000000  }
0x3: {  	_ = 	snop  }
0x4: {  	_ = 	snop  }
0x5: {  	_ = 	snop  }
0x6: {  	_ = 	snop  }
0x7: {  	_ = 	snop  }
__scs_overlays_trampoline_lowered:
0x8: {  	[smem:$0x3FAE] =	sst s0  }
0x9: {  	[smem:$0x3FAF] =	sst s1  }
0xa: {  	[smem:$0x3FB0] =	sst s2  }
0xb: {  	[smem:$0x3FB1] =	sst s3  }
0xc: {  	[smem:$0x3FB2] =	sst s4  }
0xd: {  	[smem:$0x3FB3] =	sst s5  }
0xe: {  	[smem:$0x3FB4] =	sst s6  }
0xf: {  	[smem:$0x3FB5] =	sst s7  }
0x10: {  	[smem:$0x3FB6] =	sst s8  }
0x11: {  	[smem:$0x3FB7] =	sst s9;
	s0 =	simm.s32 @!p0 $0x0  }
0x12: {  	s1 =	sld [smem:$0x3F9D];
	s0 =	simm.s32 @p0 $0x1  }
0x13: {  	[smem:$0x3FB8] =	sst s0;
	s0 =	simm.s32 @!p1 $0x0  }
0x14: {  	s2 =	sld [smem:$0x3F9C];
	s0 =	simm.s32 @p1 $0x1  }
0x15: {  	[smem:$0x3FB9] =	sst s0;
	s0 =	simm.s32 @!p2 $0x0  }
0x16: {  	s3 =	sld [smem:$0x3FDB];
	s0 =	simm.s32 @p2 $0x1  }
0x17: {  	s4 =	simm.s32 $0x1BF5;
	[smem:$0x3FBB] =	sst s0  }
0x18: {  	s0 =	sld [smem:$0x3F9E];
	_ =	swait.ge [sflag:s4], $0x0  }
0x19: {  	s7 =	sld [smem:$0x3F9F]  }
0x1a: {  	s8 =	sadd.s32 $0xFFFFE003, lr  }
0x1b: {  	s9 =	sadd.s32 $0xFFFFFEF7, lr;
	s5 =	simm.s32 $0xFFFFFFFF;
	p2 =	slt.u32 s8, $0xFFFFF086  }
0x1c: {  	p1 =	slt.u32 s9, $0xF7A;
	s5 =	simm.s32 @!p2 $0x0  }
0x1d: {  	s5 =	simm.s32 @p1 $0x1;
	p0 =	seq.s32 s7, s2  }
0x1e: {  	s7 =	smul.u32 @!p0 $0xF7A, s2;
	p2 =	seq.s32 @!p0 s5, $0x0  }
0x1f: {  	s9 =	smul.u32 $0xF7A, s1;
	s8 =	simm.s32 @!p0 $0x1BF5;
	p2 =	por !p2, p0  }
0x20: {  	[sflag:s8] =	ssyncset.s32 @!p0 $0xFFFFF086;
	s6 =	sadd.s32 @!p0 s3, s7;
	s7 =	simm.s32 @!p0 $0x108  }
0x21: {  	s3 =	sadd.s32 s3, s9;
	s6 =	sadd.s32 @!p0 $0x88, s6;
	s7 =	simm.s32 @p2 $0x1082  }
0x22: {  	[simem:s7], [sflag:s8] =	dma.local @!p0 [hbm:s6], $0xF7A  }
0x23: {  	s9 =	sor.u32 $0xD0000000, s2;
	s6 =	simm.s32 $0x108;
	_ =	swait.ge @!p0 [sflag:s8], $0x0  }
0x24: {  	s3 =	sadd.s32 $0x88, s3;
	s6 =	simm.s32 @!p1 $0x1082;
	[sflag:s4] =	ssyncset.s32 $0xFFFFF086  }
0x25: {  	[simem:s6], [sflag:s4] =	dma.local [hbm:s3], $0xF7A  }
0x26: {  	[smem:$0x3F9F] =	sst s1;
	(tag) =	ssettag s2;
	_ =	strace s9  }
0x27: {  	s1 =	sld [smem:$0x3FAF]  }
0x28: {  	s2 =	sld [smem:$0x3FB0]  }
0x29: {  	s4 =	sld [smem:$0x3FB2]  }
0x2a: {  	p0 =	seq.s32 s5, $0x0;
	s5 =	sld [smem:$0x3FB3]  }
0x2b: {  	s6 =	sld [smem:$0x3FB4]  }
0x2c: {  	s7 =	sld [smem:$0x3FB5]  }
0x2d: {  	s3 =	simm.s32 $0x108;
	s8 =	sld [smem:$0x3FB6]  }
0x2e: {  	s3 =	simm.s32 @!p0 $0x1082;
	s9 =	sld [smem:$0x3FB7]  }
0x2f: {  	lr =	sadd.s32 s0, s3;
	s0 =	sld [smem:$0x3FAE]  }
0x30: {  	s3 =	sld [smem:$0x3FB1]  }
0x31: {  	[smem:$0x3FBA] =	sst s10  }
0x32: {  	s10 =	sld [smem:$0x3FB8];
	_ =	sdelay $0x3  }
0x33: {  	p0 =	seq.s32 s10, $0x1;
	s10 =	sld [smem:$0x3FBA];
	_ =	sdelay $0x3  }
0x34: {  	[smem:$0x3FBA] =	sst s10  }
0x35: {  	s10 =	sld [smem:$0x3FB9];
	_ =	sdelay $0x3  }
0x36: {  	p1 =	seq.s32 s10, $0x1;
	s10 =	sld [smem:$0x3FBA];
	_ =	sdelay $0x3  }
0x37: {  	[smem:$0x3FBA] =	sst s10  }
0x38: {  	s10 =	sld [smem:$0x3FBB]  }
0x39: {  	_ = 	snop;
	(pc) =	sbr.ind lr, $3  }
0x3a: {  	_ = 	snop  }
0x3b: {  	_ = 	snop  }
0x3c: {  	p2 =	seq.s32 s10, $0x1;
	s10 =	sld [smem:$0x3FBA]  }
0x3d: {  	_ =	shalt  }
0x3e: {  	_ =	shalt  }
0x3f: {  	_ =	shalt  }
0x40: {  	_ =	shalt  }
0x41: {  	_ =	shalt  }
0x42: {  	_ =	shalt  }
0x43: {  	_ =	shalt  }
0x44: {  	_ =	shalt  }
0x45: {  	_ =	shalt  }
0x46: {  	_ =	shalt  }
0x47: {  	_ =	shalt  }
0x48: {  	_ =	shalt  }
0x49: {  	_ =	shalt  }
0x4a: {  	_ =	shalt  }
0x4b: {  	_ =	shalt  }
0x4c: {  	_ =	shalt  }
0x4d: {  	_ =	shalt  }
0x4e: {  	_ =	shalt  }
0x4f: {  	_ =	shalt  }
0x50: {  	_ =	shalt  }
0x51: {  	_ =	shalt  }
0x52: {  	_ =	shalt  }
0x53: {  	_ =	shalt  }
0x54: {  	_ =	shalt  }
0x55: {  	_ =	shalt  }
0x56: {  	_ =	shalt  }
0x57: {  	_ =	shalt  }
0x58: {  	_ =	shalt  }
0x59: {  	_ =	shalt  }
0x5a: {  	_ =	shalt  }
0x5b: {  	_ =	shalt  }
0x5c: {  	_ =	shalt  }
0x5d: {  	_ =	shalt  }
0x5e: {  	_ =	shalt  }
0x5f: {  	_ =	shalt  }
0x60: {  	_ =	shalt  }
0x61: {  	_ =	shalt  }
0x62: {  	_ =	shalt  }
0x63: {  	_ =	shalt  }
0x64: {  	_ =	shalt  }
0x65: {  	_ =	shalt  }
0x66: {  	_ =	shalt  }
0x67: {  	_ =	shalt  }
0x68: {  	_ =	shalt  }
0x69: {  	_ =	shalt  }
0x6a: {  	_ =	shalt  }
0x6b: {  	_ =	shalt  }
0x6c: {  	_ =	shalt  }
0x6d: {  	_ =	shalt  }
0x6e: {  	_ =	shalt  }
0x6f: {  	_ =	shalt  }
0x70: {  	_ =	shalt  }
0x71: {  	_ =	shalt  }
0x72: {  	_ =	shalt  }
0x73: {  	_ =	shalt  }
0x74: {  	_ =	shalt  }
0x75: {  	_ =	shalt  }
0x76: {  	_ =	shalt  }
0x77: {  	_ =	shalt  }
0x78: {  	_ =	shalt  }
0x79: {  	_ =	shalt  }
0x7a: {  	_ =	shalt  }
0x7b: {  	_ =	shalt  }
0x7c: {  	_ =	shalt  }
0x7d: {  	_ =	shalt  }
0x7e: {  	_ =	shalt  }
0x7f: {  	_ =	shalt  }
0x80: {  	_ =	shalt  }
0x81: {  	_ =	shalt  }
0x82: {  	_ =	shalt  }
0x83: {  	_ =	shalt  }
0x84: {  	_ =	shalt  }
0x85: {  	_ =	shalt  }
0x86: {  	_ =	shalt  }
0x87: {  	_ =	shalt  }
.Lfunc_end0:
.L_simem_size_0:
called_computation_lowered:
.L_overlay_start_0:
0x88: {  	s2 =	sld [smem:$0x3FD9]  }
0x89: {  	s3 =	sld [smem:$0x3FFE];
	_ =	sdelay $0x1  }
0x8a: {  	s1 =	srdreg.scid  }
0x8b: {  	s0 =	sand.u32 $0x1, s1  }
0x8c: {  	s17 =	sshll.u32 s0, $0xA;
	s2 =	sadd.s32 s3, s2  }
0x8d: {  	s2 =	sadd.s32 s2, s17  }
0x8e: {  	[smem:$0x3FC6] =	sst s2  }
0x8f: {  	_ = 	snop  }
0x90: {  	s2 =	sld [smem:$0x3FC8];
	(tm) =	ssettm $0x1  }
0x91: {  	s18 =	sld [smem:$0x3FFB];
	_ =	sdelay $0x3  }
0x92: {  	_ =	strace s18  }
0x93: {  	s3 =	sld [smem:$0x3FFC];
	_ =	sdelay $0x3  }
0x94: {  	_ =	strace s3  }
0x95: {  	s3 =	sld [smem:$0x3FFD];
	_ =	sdelay $0x3  }
0x96: {  	_ =	strace s3  }
0x97: {  	_ =	strace $0x8FFFFFFF  }
0x98: {  	s19 =	sld [smem:$0x3FDB];
	_ =	sdelay $0x1  }
0x99: {  	s4 =	simm.s32 $_scs_section_size  }
0x9a: {  	s5 =	simm.s32 $_size__tile_overlayer_lowered;
	s6 =	simm.s32 $_tile_overlayer_lowered  }
0x9b: {  	s22 =	simm.s32 $0x1BFF;
	s21 =	sshll.u32 s6, $0x1;
	s3 =	sadd.s32 s4, s19  }
0x9c: {  	s7 =	simm.s32 $0x0;
	s20 =	sshll.u32 s5, $0x1;
	s5 =	sadd.s32 s21, s3  }
0x9d: {  	[timem:s7], [sflag:s22] =	dma.local [hbm:s5], s20  }
0x9e: {  	_ =	swait.ge [sflag:s22], s20  }
0x9f: {  	s4 =	ssub.s32 $0x0, s20;
	[sflag:s22] =	ssyncset.done $0x0  }
0xa0: {  	[sflag:s22] =	ssyncadd.s32 s4;
	_ =	sdelay $0x1  }
0xa1: {  	s23 =	simm.s32 $0x1B8B  }
0xa2: {  	_ =	swait.ge [sflag:s23], $0x1  }
0xa3: {  	[sflag:s23] =	ssyncset.done $0x0  }
0xa4: {  	s25 =	simm.s32 $0x1B8E;
	s24 =	sld [smem:$0x3FFE];
	[sflag:s23] =	ssyncadd.s32 $0xFFFFFFFF  }
0xa5: {  	s26 =	simm.s32 $execute0_lowered;
	[smem:$0x3FD2] =	sst s25  }
0xa6: {  	s5 =	sshll.u32 s26, $0x1;
	_ =	strace $0x80000046;
	[dreg:$0x1] =	wrdreg $0xFFFFFFFF  }
0xa7: {  	s28 =	simm.s32 $_size_execute0_lowered;
	s3 =	sadd.s32 s3, s5;
	[dreg:$0x0] =	wrdreg $0x0  }
0xa8: {  	s5 =	sshll.u32 s28, $0x1;
	[dreg:$0x2] =	wrdreg s3  }
0xa9: {  	[dreg:$0x3] =	wrdreg s5  }
0xaa: {  	[dreg:$0x4] =	wrdreg $0xC0  }
0xab: {  	_ =	task [dreg:s7], $0x5FFFF  }
0xac: {  	[dreg:$0x1] =	wrdreg $0xFFFFFFFF  }
0xad: {  	[dreg:$0x0] =	wrdreg $0x60  }
0xae: {  	[dreg:$0x2] =	wrdreg s2  }
0xaf: {  	[dreg:$0x3] =	wrdreg s24  }
0xb0: {  	[dreg:$0x4] =	wrdreg $0x9  }
0xb1: {  	_ =	task.clear_ibuf [dreg:s7], $0x5FFFF;
	_ =	strace $0x90000046  }
0xb2: {  	s29 =	simm.s32 $0x9;
	_ =	strace $0x80000048  }
0xb3: {  	_ =	swait.ge [sflag:s29], $0x1  }
0xb4: {  	[sflag:s29] =	ssyncadd.s32 $0xFFFFFFFF  }
0xb5: {  	_ =	strace $0x90000048  }
0xb6: {  	_ =	sfence  }
0xb7: {  	s30 =	sld [smem:$0x0];
	_ =	sdelay $0x2  }
0xb8: {  	s31 =	sshll.u32 s1, $0xD;
	s1 =	sshrl.u32 s1, $0x2  }
0xb9: {  	s3 =	sand.u32 $0x4000, s31;
	s1 =	sadd.s32 s1, s30  }
0xba: {  	s0 =	sor.u32 s3, s0;
	s1 =	sshll.u32 s1, $0x11  }
0xbb: {  	s0 =	sor.u32 s1, s0  }
0xbc: {  	s0 =	sadd.s32 $0x8F2B, s0  }
0xbd: {  	[sflag:s0] =	ssyncadd.remote.s32 $0x1  }
0xbe: {  	_ =	sfence.sel $0xFFFF  }
0xbf: {  	[dreg:$0x0] =	wrdreg $0xFFFFFFFF;
	(pc) =	sbr.abs _section_cstart, $3  }
0xc0: {  	[dreg:$0x1] =	wrdreg $0xFFFFFFFF  }
0xc1: {  	_ =	task.clear_ibuf [dreg:s7], $0x2FFFF;
	_ =	strace $0x9FFFFFFF  }
0xc2: {  	(tm) =	ssettm $0x7FFFFFFF  }
0xc3: {  	_ =	shalt  }
tec
execute0_lowered:
.L_overlay_start_1:
0x0: {  	(tag) =	ssettag $0x1  }
0x1: {  	s4 =	rddreg [dreg:$0x0]  }
0x2: {  	s1 =	srdreg.scid;
	s0 =	stileid.u32  }
0x3: {  	s2 =	rddreg [dreg:$0x1];
	s11 =	sand.u32 $0x1, s1;
	s5 =	sshll.u32 s0, $0x1  }
0x4: {  	s3 =	simm.s32 $0x0;
	s1 =	rddreg [dreg:$0x2];
	s10 =	sor.u32 s11, s5  }
0x5: {  	[smem:$0x7FF] =	sst s3;
	s5 =	sshll.u32 s10, $0x3  }
0x6: {  	_ =	strace $0x80000047;
	s5 =	sadd.s32 s4, s5;
	s4 =	simm.s32 $0x2  }
0x7: {  	[tilespmem:s3], [sflag:$0x2] =	stream.linear.gather [hbm4b:s5+s3], $0x40, $0x38;
	[tilespmem:$0x200] =	vst v63  }
0x8: {  	s6 =	sshll.u32 s10, $0x6;
	_ =	swait.ge [sflag:s4], $0x40  }
0x9: {  	s7 =	sor.u32 $0x30, s6;
	[sflag:s4] =	ssyncset.done $0x0  }
0xa: {  	s8 =	sor.u32 $0x20, s6;
	v0 =	vmov s7;
	[sflag:s4] =	ssyncadd.s32 $0xFFFFFFC0  }
0xb: {  	v4 =	vlaneseq.u32;
	v2 =	vmov s8;
	v0 =	vmul.u32 $0x7D00, v0;
	v3 =	vld [tilespmem:$0x30]  }
0xc: {  	v4 =	vmul.u32 $0x7D00, v4;
	v1 =	vmov s6;
	s6 =	sor.u32 $0x10, s6;
	v2 =	vmul.u32 $0x7D00, v2;
	v5 =	vld [tilespmem:$0x20]  }
0xd: {  	v1 =	vmul.u32 $0x7D00, v1;
	v6 =	vmov s6;
	v0 =	vbroadcast v0, $0x0;
	v7 =	vld [tilespmem:$0x0]  }
0xe: {  	v6 =	vmul.u32 $0x7D00, v6;
	v2 =	vbroadcast v2, $0x0;
	v8 =	vld [tilespmem:$0x10]  }
0xf: {  	v9 =	vbroadcast v1, $0x0;
	v0 =	vadd.s32 v4, v0  }
0x10: {  	v6 =	vbroadcast v6, $0x0;
	v1 =	vadd.s32 v4, v2;
	v3 =	vadd.s32 v3, v0  }
0x11: {  	v2 =	vadd.s32 v4, v9;
	v5 =	vadd.s32 v5, v1;
	[tilespmem:$0xB0] =	vst v3  }
0x12: {  	v3 =	vadd.s32 v4, v6;
	v4 =	vadd.s32 v7, v2;
	[tilespmem:$0xA0] =	vst v5  }
0x13: {  	s9 =	simm.s32 $0x1;
	[tilespmem:$0x80] =	vst v4;
	v4 =	vadd.s32 v8, v3  }
0x14: {  	s6 =	simm.s32 $0x40;
	s7 =	simm.s32 $0x80;
	s8 =	simm.s32 $0x100;
	[tilespmem:$0x90] =	vst v4  }
0x15: {  	[tilespmem:s8], [sflag:$0x1] =	stream.indirect.gather [hbm4b:s2+s6], $0x1, s7, s6, $0xb8;
	[tilespmem:$0x200] =	vst v63  }
0x16: {  	_ =	swait.ge [sflag:s9], $0x40  }
0x17: {  	[sflag:s9] =	ssyncset.done $0x0  }
0x18: {  	[sflag:s9] =	ssyncadd.s32 $0xFFFFFFC0  }
0x19: {  	v4 =	vld [tilespmem:$0x0]  }
0x1a: {  	v5 =	vld [tilespmem:$0x100]  }
0x1b: {  	v6 =	vld [tilespmem:$0x10]  }
0x1c: {  	v7 =	vld [tilespmem:$0x110]  }
0x1d: {  	s11 =	ssub.s32 $0x2, s11;
	v62 =	vld [tilespmem:$0x20]  }
0x1e: {  	s12 =	sshrl.u32 s11, $0x1;
	v63 =	vld [tilespmem:$0x120]  }
0x1f: {  	s11 =	ssub.s32 s11, s12;
	v10 =	vld [tilespmem:$0x30];
	v5 =	vadd.f32 $0.0e+00, v5  }
0x20: {  	s12 =	smax.u32 s11, $0x1;
	vm0 =	veq.s32 v4, $0x0;
	vm1 =	veq.s32 v6, $0x0;
	v4 =	vld [tilespmem:$0x130]  }
0x21: {  	p0 =	sne.s32 s12, $0x1;
	v6 =	vsel vm1, $0x0, v7;
	v5 =	vsel vm0, $0x0, v5  }
.Ltmp0:
0x22: {  	vm14 =	veq.s32 v62, $0x0;
	v5 =	vadd.f32 v6, v5;
	(pc) =	sbr.rel @!p0 .LBB2_2-.Ltmp0, $4  }
0x23: {  	v6 =	vsel vm14, $0x0, v63  }
0x24: {  	s10 =	sshll.u32 s10, $0x4;
	vm15 =	veq.s32 v10, $0x0;
	v5 =	vadd.f32 v6, v5  }
0x25: {  	s10 =	sadd.s32 s10, s2;
	v4 =	vsel vm15, $0x0, v4  }
0x26: {  	s10 =	sadd.s32 $0x7D0000, s10;
	s11 =	simm.s32 $0x180;
	s12 =	sadd.s32 $0xFFFFFFFF, s12;
	v4 =	vadd.f32 v4, v5  }
.LBB2_1:
0x27: {  	_ = 	snop  }
0x28: {  	p0 =	sne.s32 s12, $0x1;
	s12 =	sadd.s32 $0xFFFFFFFF, s12;
	[tilespmem:$0x180] =	vst v4  }
0x29: {  	[hbm4b:s10+s3] =	stream.linear.scatter [tilespmem:s11], [sflag:$0x2], $0x80, $0x38;
	[tilespmem:$0x200] =	vst v63  }
0x2a: {  	_ =	swait.ge [sflag:s4], $0x80  }
0x2b: {  	[sflag:s4] =	ssyncset.done $0x0  }
0x2c: {  	[sflag:s4] =	ssyncadd.s32 $0xFFFFFF80  }
0x2d: {  	[tilespmem:s3], [sflag:$0x2] =	stream.linear.gather [hbm4b:s5+s3], $0x40, $0x38;
	[tilespmem:$0x200] =	vst v63  }
0x2e: {  	_ =	swait.ge [sflag:s4], $0x40  }
0x2f: {  	[sflag:s4] =	ssyncset.done $0x0  }
0x30: {  	[sflag:s4] =	ssyncadd.s32 $0xFFFFFFC0  }
0x31: {  	v4 =	vld [tilespmem:$0x30]  }
0x32: {  	v5 =	vld [tilespmem:$0x20]  }
0x33: {  	v6 =	vld [tilespmem:$0x0]  }
0x34: {  	v7 =	vld [tilespmem:$0x10];
	_ =	sdelay $0x1  }
0x35: {  	v4 =	vadd.s32 v4, v0  }
0x36: {  	v5 =	vadd.s32 v5, v1;
	[tilespmem:$0xB0] =	vst v4  }
0x37: {  	v4 =	vadd.s32 v6, v2;
	[tilespmem:$0xA0] =	vst v5  }
0x38: {  	[tilespmem:$0x80] =	vst v4;
	v4 =	vadd.s32 v7, v3  }
0x39: {  	[tilespmem:$0x90] =	vst v4  }
0x3a: {  	[tilespmem:s8], [sflag:$0x1] =	stream.indirect.gather [hbm4b:s2+s6], $0x1, s7, s6, $0xb8;
	[tilespmem:$0x200] =	vst v63  }
0x3b: {  	_ =	swait.ge [sflag:s9], $0x40  }
0x3c: {  	[sflag:s9] =	ssyncset.done $0x0  }
0x3d: {  	[sflag:s9] =	ssyncadd.s32 $0xFFFFFFC0  }
0x3e: {  	v4 =	vld [tilespmem:$0x0]  }
0x3f: {  	v5 =	vld [tilespmem:$0x100]  }
0x40: {  	v6 =	vld [tilespmem:$0x10]  }
0x41: {  	v7 =	vld [tilespmem:$0x110]  }
0x42: {  	v8 =	vld [tilespmem:$0x20]  }
0x43: {  	v9 =	vld [tilespmem:$0x120]  }
0x44: {  	v5 =	vadd.f32 $0.0e+00, v5;
	v10 =	vld [tilespmem:$0x30]  }
0x45: {  	vm0 =	veq.s32 v4, $0x0;
	vm1 =	veq.s32 v6, $0x0;
	v4 =	vld [tilespmem:$0x130]  }
0x46: {  	v5 =	vsel vm0, $0x0, v5;
	v6 =	vsel vm1, $0x0, v7  }
.Ltmp1:
0x47: {  	v5 =	vadd.f32 v6, v5;
	vm0 =	veq.s32 v8, $0x0;
	(pc) =	sbr.rel @p0 .LBB2_1-.Ltmp1, $4  }
0x48: {  	v6 =	vsel vm0, $0x0, v9  }
0x49: {  	v5 =	vadd.f32 v6, v5;
	vm0 =	veq.s32 v10, $0x0  }
0x4a: {  	v4 =	vsel vm0, $0x0, v4  }
0x4b: {  	v4 =	vadd.f32 v4, v5  }
.LBB2_2:
0x4c: {  	_ = 	snop  }
0x4d: {  	[tilespmem:$0x180] =	vst v4  }
0x4e: {  	[hbm4b:s10+s3] =	stream.linear.scatter [tilespmem:s11], [sflag:$0x2], $0x80, $0x38;
	[tilespmem:$0x200] =	vst v63  }
0x4f: {  	_ =	swait.ge [sflag:s4], $0x80  }
0x50: {  	[sflag:s4] =	ssyncset.done $0x0  }
0x51: {  	[sflag:s4] =	ssyncadd.s32 $0xFFFFFF80  }
0x52: {  	_ =	sfence.sel $0x180000  }
0x53: {  	[bflag:$0x0] =	sbarrier.arrive $0xFFFF  }
0x54: {  	p0 =	sne.s32 s0, $0x0;
	_ =	strace $0x90000047  }
0x55: {  	s0 =	sadd.s32 @!p0 $0x100000, s1;
	[bflag:$0x2] =	sbarrier.arrive $0xFFFF  }
0x56: {  	[sflag:s0] =	ssyncadd.tile.s32 @!p0 $0x1;
	_ =	shalt  }
.Lfunc_end2:
_tile_overlayer_lowered:
.L_overlay_start_2:
0x57: {  	(tag) =	ssettag $0x2  }
0x58: {  	s0 =	rddreg [dreg:$0x0];
	s2 =	stileid.u32  }
0x59: {  	s1 =	rddreg [dreg:$0x1];
	p0 =	sne.s32 s2, $0x0  }
0x5a: {  	s3 =	rddreg [dreg:$0x2];
	[bflag:$0x3] =	sbarrier.arrive $0xFFFF;
	s2 =	simm.s32 @!p0 $0x1C02  }
0x5b: {  	[timem:s3], [sflag:s2] =	dma.local @!p0 [hbm:s0], s1  }
0x5c: {  	s0 =	simm.s32 @!p0 $0x2  }
0x5d: {  	_ =	swait.ge @!p0 [sflag:s0], s1  }
0x5e: {  	s1 =	ssub.s32 @!p0 $0x0, s1;
	[sflag:s0] =	ssyncset.done @!p0 $0x0  }
0x5f: {  	[sflag:s0] =	ssyncadd.s32 @!p0 s1  }
0x60: {  	[bflag:$0x3] =	sbarrier.arrive $0xFFFF  }
0x61: {  	_ =	shalt  }

</sc_bundles>
